<compile_context>
chip_gen: v7x
topology: tpu7x:2x2x1
jax: 0.10.2.dev20260603
libtpu: 0.0.44.dev20260713+nightly
codegen_flags: <defaults>
</compile_context>

<pallas_src>
import functools

import jax
import jax.numpy as jnp
from jax import lax
from jax.experimental import pallas as pl
from jax.experimental.pallas import tpu as pltpu
from jax.experimental.pallas import tpu_sc as plsc


def _ids_body(z_ref, w_ref, ids_ref):
    w = w_ref[...]
    K = w.shape[0]
    c = jnp.sum(w * w, axis=1)[:, None]
    nb = z_ref.shape[0]
    px = z_ref.shape[2]
    iota = jax.lax.broadcasted_iota(jnp.int32, (K, px), 0)
    for i in range(nb):
        zc = z_ref[i]
        b2 = jax.lax.dot_general(w, zc, (((1,), (0,)), ((), ())),
                                 preferred_element_type=jnp.float32)
        a = jnp.sum(zc * zc, axis=0)[None, :]
        dist = (a - 2.0 * b2) + c
        mval = jnp.min(dist, axis=0, keepdims=True)
        ids2 = jnp.min(jnp.where(dist == mval, iota, K), axis=0,
                       keepdims=True)
        ids_ref[i, 0] = ids2


def _xpose_body(rows_ref, ek_ref):
    nb = rows_ref.shape[0]
    C = ek_ref.shape[1]
    for i in range(nb):
        ek_ref[i] = rows_ref[i][:, :C].T


def _sc_gather(table, idx):
    info = plsc.get_sparse_core_info()
    NC, NS = info.num_cores, info.num_subcores
    NW = NC * NS
    Bp = idx.shape[0]
    b_per_w = Bp // NW
    D = table.shape[1]
    mesh = plsc.VectorSubcoreMesh(core_axis_name="c", subcore_axis_name="s")

    @functools.partial(
        pl.kernel, mesh=mesh,
        out_type=jax.ShapeDtypeStruct((Bp, D), jnp.float32),
        scratch_types=[
            pltpu.VMEM((b_per_w,), jnp.int32),
            pltpu.VMEM((b_per_w, D), jnp.float32),
            pltpu.SemaphoreType.DMA,
        ],
    )
    def k(table_hbm, idx_hbm, out_hbm, idx_v, rows_v, sem):
        wid = lax.axis_index("s") * NC + lax.axis_index("c")
        base = wid * b_per_w
        pltpu.sync_copy(idx_hbm.at[pl.ds(base, b_per_w)], idx_v)
        pltpu.async_copy(table_hbm.at[idx_v], rows_v, sem).wait()
        pltpu.sync_copy(rows_v, out_hbm.at[pl.ds(base, b_per_w)])

    return k(table, idx)


def kernel(z_e, codebook):
    B, C, H, W = z_e.shape
    K = codebook.shape[0]
    P = H * W
    GB = 4
    ids = pl.pallas_call(
        _ids_body,
        grid=(B // GB,),
        in_specs=[
            pl.BlockSpec((GB, C, P), lambda b: (b, 0, 0)),
            pl.BlockSpec((K, C), lambda b: (0, 0)),
        ],
        out_specs=pl.BlockSpec((GB, 1, 1, P), lambda b: (b, 0, 0, 0)),
        out_shape=jax.ShapeDtypeStruct((B, 1, 1, P), jnp.int32),
        compiler_params=pltpu.CompilerParams(
            dimension_semantics=("parallel",)),
    )(z_e.reshape(B, C, P), codebook)

    wpad = jnp.pad(codebook, ((0, 0), (0, 128 - C)))
    rows = _sc_gather(wpad, ids.reshape(B * P))

    ek = pl.pallas_call(
        _xpose_body,
        grid=(B // GB,),
        in_specs=[pl.BlockSpec((GB, P, 128), lambda b: (b, 0, 0))],
        out_specs=pl.BlockSpec((GB, C, P), lambda b: (b, 0, 0)),
        out_shape=jax.ShapeDtypeStruct((B, C, P), jnp.float32),
        compiler_params=pltpu.CompilerParams(
            dimension_semantics=("parallel",)),
    )(rows.reshape(B, P, 128))
    ek = ek.reshape(B, C, H, W)
    return ek, ek, ids.reshape(B, H, W)

# --- scband reference (transcript-rebuilt; emitter-appended) ---
"""Pipeline reference for scband-conv-vector-quantizer-24094766531143 (READ-ONLY COPY).

The authoritative reference and input builder live on the scoring server;
editing this copy changes nothing except your own understanding.
"""

import jax, jax.numpy as jnp
import numpy as np

CODEBOOK_SIZE = 1024
CODEBOOK_DIM = 64

def setup_inputs(seed: int = 0) -> dict:
    key = jax.random.key(seed)
    k1, k2 = jax.random.split(key)
    z_e = jax.random.normal(k1, (16, CODEBOOK_DIM, 32, 32), dtype=jnp.float32)
    codebook = jax.random.uniform(
        k2, (CODEBOOK_SIZE, CODEBOOK_DIM), dtype=jnp.float32,
        minval=-1.0 / CODEBOOK_SIZE, maxval=1.0 / CODEBOOK_SIZE)
    return {"z_e": z_e, "codebook": codebook}

def reference(z_e, codebook):
    B, C, H, W = z_e.shape
    z_flat = jnp.transpose(z_e, (0, 2, 3, 1)).reshape(-1, C)
    w = codebook
    dist = (jnp.sum(z_flat ** 2, axis=1, keepdims=True)
            - 2.0 * z_flat @ w.T
            + jnp.sum(w ** 2, axis=1)[None, :])
    ids = jnp.argmin(dist, axis=1)
    e_k = jnp.take(w, ids, axis=0)
    e_k_st = z_flat + jax.lax.stop_gradient(e_k - z_flat)
    e_k_out = jnp.transpose(e_k.reshape(B, H, W, C), (0, 3, 1, 2))
    e_k_st_out = jnp.transpose(e_k_st.reshape(B, H, W, C), (0, 3, 1, 2))
    ids_out = ids.reshape(B, H, W)
    return (e_k_out, e_k_st_out, ids_out)

if __name__ == "__main__":
    import jax
    _d = setup_inputs()
    print(jax.jit(kernel)(*tuple(_d.values())))

</pallas_src>

<mosaic_0001>
#map = affine_map<(d0, d1) -> (0, 0)>
#map1 = affine_map<(d0, d1) -> (0)>
module attributes {stable_mosaic.version = 14 : i64} {
  func.func @k(%arg0: i32, %arg1: i32, %arg2: memref<1024x128xf32, #tpu.memory_space<hbm>>, %arg3: memref<16384xi32, #tpu.memory_space<hbm>>, %arg4: memref<16384x128xf32, #tpu.memory_space<hbm>>, %arg5: memref<512xi32, #tpu.memory_space<vmem>>, %arg6: memref<512x128xf32, #tpu.memory_space<vmem>>, %arg7: memref<!tpu.dma_semaphore, #tpu.memory_space<semaphore_mem>>) attributes {dimension_semantics = [#tpu.dimension_semantics<core_parallel>, #tpu.dimension_semantics<subcore_parallel>], iteration_bounds = array<i64: 2, 16>, scalar_prefetch = 0 : i64, scratch_operands = 3 : i64, tpu.core_type = #tpu.core_type<sc_vector_subcore>, window_params = [{transform_indices = #map}, {transform_indices = #map1}, {transform_indices = #map}]} {
    %mul3A = arith.constant 2 : i32
    %mul3A_0 = arith.muli %arg1, %mul3A : i32
    %add3A = arith.addi %mul3A_0, %arg0 : i32
    %mul3A_1 = arith.constant 512 : i32
    %mul3A_2 = arith.muli %add3A, %mul3A_1 : i32
    "tpu.region"() ({
      %run_scoped3A = tpu.sem_alloc : memref<!tpu.dma_semaphore, #tpu.memory_space<semaphore_mem>>
      %dma_start3A_7 = tpu.memref_slice %arg3[%mul3A_2] : memref<16384xi32, #tpu.memory_space<hbm>> -> memref<512xi32, #tpu.memory_space<hbm>>
      %dma_start3A_8 = tpu.memref_slice %arg3[%mul3A_2] : memref<16384xi32, #tpu.memory_space<hbm>> -> memref<512xi32, #tpu.memory_space<hbm>>
      tpu.enqueue_dma source(%dma_start3A_8 : memref<512xi32, #tpu.memory_space<hbm>>) target(%arg5 : memref<512xi32, #tpu.memory_space<vmem>>) target_semaphore(%run_scoped3A : memref<!tpu.dma_semaphore, #tpu.memory_space<semaphore_mem>>)
      %dma_wait3A_9 = tpu.memref_slice %arg3[%mul3A_2] : memref<16384xi32, #tpu.memory_space<hbm>> -> memref<512xi32, #tpu.memory_space<hbm>>
      %dma_wait3A_10 = tpu.memref_slice %arg3[%mul3A_2] : memref<16384xi32, #tpu.memory_space<hbm>> -> memref<512xi32, #tpu.memory_space<hbm>>
      tpu.wait_dma2 semaphore(%run_scoped3A : memref<!tpu.dma_semaphore, #tpu.memory_space<semaphore_mem>>) src(%dma_wait3A_10 : memref<512xi32, #tpu.memory_space<hbm>>) dst(%arg5 : memref<512xi32, #tpu.memory_space<vmem>>)
      tpu.yield
    }) : () -> ()
    %dma_start3A = arith.constant 0 : i32
    %dma_start3A_3 = arith.constant 0 : i32
    %dma_start3A_4 = tpu.memref_slice %arg2[%dma_start3A, %dma_start3A_3] : memref<1024x128xf32, #tpu.memory_space<hbm>> -> memref<1024x128xf32, #tpu.memory_space<hbm>>
    tpu.enqueue_indirect_dma source(%dma_start3A_4 : memref<1024x128xf32, #tpu.memory_space<hbm>>) target(%arg6 : memref<512x128xf32, #tpu.memory_space<vmem>>) offsets(%arg5 : memref<512xi32, #tpu.memory_space<vmem>>) semaphore(%arg7 : memref<!tpu.dma_semaphore, #tpu.memory_space<semaphore_mem>>)
    %dma_wait3A = arith.constant 0 : i32
    %dma_wait3A_5 = arith.constant 0 : i32
    %dma_wait3A_6 = tpu.memref_slice %arg2[%dma_wait3A, %dma_wait3A_5] : memref<1024x128xf32, #tpu.memory_space<hbm>> -> memref<1024x128xf32, #tpu.memory_space<hbm>>
    tpu.wait_indirect_dma semaphore(%arg7 : memref<!tpu.dma_semaphore, #tpu.memory_space<semaphore_mem>>) src(%dma_wait3A_6 : memref<1024x128xf32, #tpu.memory_space<hbm>>) dst(%arg6 : memref<512x128xf32, #tpu.memory_space<vmem>>)
    "tpu.region"() ({
      %run_scoped3A = tpu.sem_alloc : memref<!tpu.dma_semaphore, #tpu.memory_space<semaphore_mem>>
      %dma_start3A_7 = arith.constant 0 : i32
      %dma_start3A_8 = tpu.memref_slice %arg4[%mul3A_2, %dma_start3A_7] : memref<16384x128xf32, #tpu.memory_space<hbm>> -> memref<512x128xf32, #tpu.memory_space<hbm>>
      %dma_start3A_9 = arith.constant 0 : i32
      %dma_start3A_10 = tpu.memref_slice %arg4[%mul3A_2, %dma_start3A_9] : memref<16384x128xf32, #tpu.memory_space<hbm>> -> memref<512x128xf32, #tpu.memory_space<hbm>>
      tpu.enqueue_dma source(%arg6 : memref<512x128xf32, #tpu.memory_space<vmem>>) target(%dma_start3A_10 : memref<512x128xf32, #tpu.memory_space<hbm>>) target_semaphore(%run_scoped3A : memref<!tpu.dma_semaphore, #tpu.memory_space<semaphore_mem>>)
      %dma_wait3A_11 = arith.constant 0 : i32
      %dma_wait3A_12 = tpu.memref_slice %arg4[%mul3A_2, %dma_wait3A_11] : memref<16384x128xf32, #tpu.memory_space<hbm>> -> memref<512x128xf32, #tpu.memory_space<hbm>>
      %dma_wait3A_13 = arith.constant 0 : i32
      %dma_wait3A_14 = tpu.memref_slice %arg4[%mul3A_2, %dma_wait3A_13] : memref<16384x128xf32, #tpu.memory_space<hbm>> -> memref<512x128xf32, #tpu.memory_space<hbm>>
      tpu.wait_dma2 semaphore(%run_scoped3A : memref<!tpu.dma_semaphore, #tpu.memory_space<semaphore_mem>>) src(%arg6 : memref<512x128xf32, #tpu.memory_space<vmem>>) dst(%dma_wait3A_14 : memref<512x128xf32, #tpu.memory_space<hbm>>)
      tpu.yield
    }) : () -> ()
    return
  }
}

module attributes {stable_mosaic.version = 14 : i64} {
  func.func @_ids_body(%arg0: i32, %arg1: memref<4x64x1024xf32, #tpu.memory_space<vmem>>, %arg2: memref<1024x64xf32, #tpu.memory_space<vmem>>, %arg3: memref<4x1x1x1024xi32, #tpu.memory_space<vmem>>) attributes {dimension_semantics = [#tpu.dimension_semantics<parallel>], iteration_bounds = array<i64: 4>, scalar_prefetch = 0 : i64, scratch_operands = 0 : i64, tpu.core_type = #tpu.core_type<tc>, window_params = [{transform_indices = @transform_0, window_bounds = array<i64: 4, 64, 1024>}, {pipeline_mode = #tpu.pipeline_mode<synchronous>, transform_indices = @transform_1, window_bounds = array<i64: 1024, 64>}, {transform_indices = @transform_2, window_bounds = array<i64: 4, 1, 1, 1024>}]} {
    %get3A = arith.constant 0 : index
    %get3A_0 = arith.constant 0 : index
    %get3A_1 = vector.load %arg2[%get3A, %get3A_0] : memref<1024x64xf32, #tpu.memory_space<vmem>>, vector<1024x64xf32>
    %mul3A = arith.mulf %get3A_1, %get3A_1 : vector<1024x64xf32>
    %reduce_sum3A = arith.constant dense<0.000000e+00> : vector<1024xf32>
    %reduce_sum3A_2 = vector.multi_reduction <add>, %mul3A, %reduce_sum3A [1] : vector<1024x64xf32> to vector<1024xf32>
    %broadcast_in_dim3A = vector.shape_cast %reduce_sum3A_2 : vector<1024xf32> to vector<1024x1xf32>
    %iota3A = tpu.iota {dimensions = array<i32: 0>} : vector<1024x1024xi32>
    %get3A_3 = arith.constant 0 : index
    %get3A_4 = arith.constant 0 : index
    %get3A_5 = arith.constant 0 : index
    %get3A_6 = vector.load %arg1[%get3A_3, %get3A_4, %get3A_5] : memref<4x64x1024xf32, #tpu.memory_space<vmem>>, vector<1x64x1024xf32>
    %get3A_7 = vector.shape_cast %get3A_6 : vector<1x64x1024xf32> to vector<64x1024xf32>
    %dot_general3A = arith.constant dense<0.000000e+00> : vector<1024x1024xf32>
    %dot_general3A_8 = tpu.matmul %get3A_1, %get3A_7, %dot_general3A {dimension_numbers = #tpu.dot_dimension_numbers<[1], [0], [0], [1], [0, 0, 1, 1], [], []>, transpose_lhs_hint = false} : vector<1024x64xf32>, vector<64x1024xf32>, vector<1024x1024xf32> -> vector<1024x1024xf32>
    %mul3A_9 = arith.mulf %get3A_7, %get3A_7 : vector<64x1024xf32>
    %reduce_sum3A_10 = arith.constant dense<0.000000e+00> : vector<1024xf32>
    %reduce_sum3A_11 = vector.multi_reduction <add>, %mul3A_9, %reduce_sum3A_10 [0] : vector<64x1024xf32> to vector<1024xf32>
    %broadcast_in_dim3A_12 = vector.shape_cast %reduce_sum3A_11 : vector<1024xf32> to vector<1x1024xf32>
    %mul3A_13 = arith.constant 2.000000e+00 : f32
    %mul3A_14 = vector.broadcast %mul3A_13 : f32 to vector<1024x1024xf32>
    %mul3A_15 = arith.mulf %mul3A_14, %dot_general3A_8 : vector<1024x1024xf32>
    %sub3A = vector.broadcast %broadcast_in_dim3A_12 : vector<1x1024xf32> to vector<1024x1024xf32>
    %sub3A_16 = arith.subf %sub3A, %mul3A_15 : vector<1024x1024xf32>
    %add3A = vector.broadcast %broadcast_in_dim3A : vector<1024x1xf32> to vector<1024x1024xf32>
    %add3A_17 = arith.addf %sub3A_16, %add3A : vector<1024x1024xf32>
    %reduce_min3A = arith.constant dense<0x7F800000> : vector<1024xf32>
    %reduce_min3A_18 = vector.multi_reduction <minimumf>, %add3A_17, %reduce_min3A [0] : vector<1024x1024xf32> to vector<1024xf32>
    %broadcast_in_dim3A_19 = vector.shape_cast %reduce_min3A_18 : vector<1024xf32> to vector<1x1024xf32>
    %eq3A = vector.broadcast %broadcast_in_dim3A_19 : vector<1x1024xf32> to vector<1024x1024xf32>
    %eq3A_20 = arith.cmpf oeq, %add3A_17, %eq3A : vector<1024x1024xf32>
    %jit3A = arith.constant 1024 : i32
    %broadcast_in_dim3A_21 = vector.broadcast %jit3A : i32 to vector<1024x1024xi32>
    %select_n3A = arith.select %eq3A_20, %iota3A, %broadcast_in_dim3A_21 : vector<1024x1024xi1>, vector<1024x1024xi32>
    %reduce_min3A_22 = arith.constant dense<2147483647> : vector<1024xi32>
    %reduce_min3A_23 = vector.multi_reduction <minsi>, %select_n3A, %reduce_min3A_22 [0] : vector<1024x1024xi32> to vector<1024xi32>
    %broadcast_in_dim3A_24 = vector.shape_cast %reduce_min3A_23 : vector<1024xi32> to vector<1x1024xi32>
    %swap3A = arith.constant 0 : index
    %swap3A_25 = arith.constant 0 : index
    %swap3A_26 = arith.constant 0 : index
    %swap3A_27 = arith.constant 0 : index
    %swap3A_28 = vector.load %arg3[%swap3A, %swap3A_25, %swap3A_26, %swap3A_27] : memref<4x1x1x1024xi32, #tpu.memory_space<vmem>>, vector<1x1x1x1024xi32>
    %swap3A_29 = vector.shape_cast %swap3A_28 : vector<1x1x1x1024xi32> to vector<1x1024xi32>
    %swap3A_30 = vector.shape_cast %broadcast_in_dim3A_24 : vector<1x1024xi32> to vector<1x1x1x1024xi32>
    tpu.vector_store %arg3[%swap3A, %swap3A_25, %swap3A_26, %swap3A_27], %swap3A_30 {strides = array<i32>} : memref<4x1x1x1024xi32, #tpu.memory_space<vmem>>, vector<1x1x1x1024xi32>,
    %get3A_31 = arith.constant 1 : index
    %get3A_32 = arith.constant 0 : index
    %get3A_33 = arith.constant 0 : index
    %get3A_34 = vector.load %arg1[%get3A_31, %get3A_32, %get3A_33] : memref<4x64x1024xf32, #tpu.memory_space<vmem>>, vector<1x64x1024xf32>
    %get3A_35 = vector.shape_cast %get3A_34 : vector<1x64x1024xf32> to vector<64x1024xf32>
    %dot_general3A_36 = arith.constant dense<0.000000e+00> : vector<1024x1024xf32>
    %dot_general3A_37 = tpu.matmul %get3A_1, %get3A_35, %dot_general3A_36 {dimension_numbers = #tpu.dot_dimension_numbers<[1], [0], [0], [1], [0, 0, 1, 1], [], []>, transpose_lhs_hint = false} : vector<1024x64xf32>, vector<64x1024xf32>, vector<1024x1024xf32> -> vector<1024x1024xf32>
    %mul3A_38 = arith.mulf %get3A_35, %get3A_35 : vector<64x1024xf32>
    %reduce_sum3A_39 = arith.constant dense<0.000000e+00> : vector<1024xf32>
    %reduce_sum3A_40 = vector.multi_reduction <add>, %mul3A_38, %reduce_sum3A_39 [0] : vector<64x1024xf32> to vector<1024xf32>
    %broadcast_in_dim3A_41 = vector.shape_cast %reduce_sum3A_40 : vector<1024xf32> to vector<1x1024xf32>
    %mul3A_42 = arith.constant 2.000000e+00 : f32
    %mul3A_43 = vector.broadcast %mul3A_42 : f32 to vector<1024x1024xf32>
    %mul3A_44 = arith.mulf %mul3A_43, %dot_general3A_37 : vector<1024x1024xf32>
    %sub3A_45 = vector.broadcast %broadcast_in_dim3A_41 : vector<1x1024xf32> to vector<1024x1024xf32>
    %sub3A_46 = arith.subf %sub3A_45, %mul3A_44 : vector<1024x1024xf32>
    %add3A_47 = vector.broadcast %broadcast_in_dim3A : vector<1024x1xf32> to vector<1024x1024xf32>
    %add3A_48 = arith.addf %sub3A_46, %add3A_47 : vector<1024x1024xf32>
    %reduce_min3A_49 = arith.constant dense<0x7F800000> : vector<1024xf32>
    %reduce_min3A_50 = vector.multi_reduction <minimumf>, %add3A_48, %reduce_min3A_49 [0] : vector<1024x1024xf32> to vector<1024xf32>
    %broadcast_in_dim3A_51 = vector.shape_cast %reduce_min3A_50 : vector<1024xf32> to vector<1x1024xf32>
    %eq3A_52 = vector.broadcast %broadcast_in_dim3A_51 : vector<1x1024xf32> to vector<1024x1024xf32>
    %eq3A_53 = arith.cmpf oeq, %add3A_48, %eq3A_52 : vector<1024x1024xf32>
    %jit3A_54 = arith.constant 1024 : i32
    %broadcast_in_dim3A_55 = vector.broadcast %jit3A_54 : i32 to vector<1024x1024xi32>
    %select_n3A_56 = arith.select %eq3A_53, %iota3A, %broadcast_in_dim3A_55 : vector<1024x1024xi1>, vector<1024x1024xi32>
    %reduce_min3A_57 = arith.constant dense<2147483647> : vector<1024xi32>
    %reduce_min3A_58 = vector.multi_reduction <minsi>, %select_n3A_56, %reduce_min3A_57 [0] : vector<1024x1024xi32> to vector<1024xi32>
    %broadcast_in_dim3A_59 = vector.shape_cast %reduce_min3A_58 : vector<1024xi32> to vector<1x1024xi32>
    %swap3A_60 = arith.constant 1 : index
    %swap3A_61 = arith.constant 0 : index
    %swap3A_62 = arith.constant 0 : index
    %swap3A_63 = arith.constant 0 : index
    %swap3A_64 = vector.load %arg3[%swap3A_60, %swap3A_61, %swap3A_62, %swap3A_63] : memref<4x1x1x1024xi32, #tpu.memory_space<vmem>>, vector<1x1x1x1024xi32>
    %swap3A_65 = vector.shape_cast %swap3A_64 : vector<1x1x1x1024xi32> to vector<1x1024xi32>
    %swap3A_66 = vector.shape_cast %broadcast_in_dim3A_59 : vector<1x1024xi32> to vector<1x1x1x1024xi32>
    tpu.vector_store %arg3[%swap3A_60, %swap3A_61, %swap3A_62, %swap3A_63], %swap3A_66 {strides = array<i32>} : memref<4x1x1x1024xi32, #tpu.memory_space<vmem>>, vector<1x1x1x1024xi32>,
    %get3A_67 = arith.constant 2 : index
    %get3A_68 = arith.constant 0 : index
    %get3A_69 = arith.constant 0 : index
    %get3A_70 = vector.load %arg1[%get3A_67, %get3A_68, %get3A_69] : memref<4x64x1024xf32, #tpu.memory_space<vmem>>, vector<1x64x1024xf32>
    %get3A_71 = vector.shape_cast %get3A_70 : vector<1x64x1024xf32> to vector<64x1024xf32>
    %dot_general3A_72 = arith.constant dense<0.000000e+00> : vector<1024x1024xf32>
    %dot_general3A_73 = tpu.matmul %get3A_1, %get3A_71, %dot_general3A_72 {dimension_numbers = #tpu.dot_dimension_numbers<[1], [0], [0], [1], [0, 0, 1, 1], [], []>, transpose_lhs_hint = false} : vector<1024x64xf32>, vector<64x1024xf32>, vector<1024x1024xf32> -> vector<1024x1024xf32>
    %mul3A_74 = arith.mulf %get3A_71, %get3A_71 : vector<64x1024xf32>
    %reduce_sum3A_75 = arith.constant dense<0.000000e+00> : vector<1024xf32>
    %reduce_sum3A_76 = vector.multi_reduction <add>, %mul3A_74, %reduce_sum3A_75 [0] : vector<64x1024xf32> to vector<1024xf32>
    %broadcast_in_dim3A_77 = vector.shape_cast %reduce_sum3A_76 : vector<1024xf32> to vector<1x1024xf32>
    %mul3A_78 = arith.constant 2.000000e+00 : f32
    %mul3A_79 = vector.broadcast %mul3A_78 : f32 to vector<1024x1024xf32>
    %mul3A_80 = arith.mulf %mul3A_79, %dot_general3A_73 : vector<1024x1024xf32>
    %sub3A_81 = vector.broadcast %broadcast_in_dim3A_77 : vector<1x1024xf32> to vector<1024x1024xf32>
    %sub3A_82 = arith.subf %sub3A_81, %mul3A_80 : vector<1024x1024xf32>
    %add3A_83 = vector.broadcast %broadcast_in_dim3A : vector<1024x1xf32> to vector<1024x1024xf32>
    %add3A_84 = arith.addf %sub3A_82, %add3A_83 : vector<1024x1024xf32>
    %reduce_min3A_85 = arith.constant dense<0x7F800000> : vector<1024xf32>
    %reduce_min3A_86 = vector.multi_reduction <minimumf>, %add3A_84, %reduce_min3A_85 [0] : vector<1024x1024xf32> to vector<1024xf32>
    %broadcast_in_dim3A_87 = vector.shape_cast %reduce_min3A_86 : vector<1024xf32> to vector<1x1024xf32>
    %eq3A_88 = vector.broadcast %broadcast_in_dim3A_87 : vector<1x1024xf32> to vector<1024x1024xf32>
    %eq3A_89 = arith.cmpf oeq, %add3A_84, %eq3A_88 : vector<1024x1024xf32>
    %jit3A_90 = arith.constant 1024 : i32
    %broadcast_in_dim3A_91 = vector.broadcast %jit3A_90 : i32 to vector<1024x1024xi32>
    %select_n3A_92 = arith.select %eq3A_89, %iota3A, %broadcast_in_dim3A_91 : vector<1024x1024xi1>, vector<1024x1024xi32>
    %reduce_min3A_93 = arith.constant dense<2147483647> : vector<1024xi32>
    %reduce_min3A_94 = vector.multi_reduction <minsi>, %select_n3A_92, %reduce_min3A_93 [0] : vector<1024x1024xi32> to vector<1024xi32>
    %broadcast_in_dim3A_95 = vector.shape_cast %reduce_min3A_94 : vector<1024xi32> to vector<1x1024xi32>
    %swap3A_96 = arith.constant 2 : index
    %swap3A_97 = arith.constant 0 : index
    %swap3A_98 = arith.constant 0 : index
    %swap3A_99 = arith.constant 0 : index
    %swap3A_100 = vector.load %arg3[%swap3A_96, %swap3A_97, %swap3A_98, %swap3A_99] : memref<4x1x1x1024xi32, #tpu.memory_space<vmem>>, vector<1x1x1x1024xi32>
    %swap3A_101 = vector.shape_cast %swap3A_100 : vector<1x1x1x1024xi32> to vector<1x1024xi32>
    %swap3A_102 = vector.shape_cast %broadcast_in_dim3A_95 : vector<1x1024xi32> to vector<1x1x1x1024xi32>
    tpu.vector_store %arg3[%swap3A_96, %swap3A_97, %swap3A_98, %swap3A_99], %swap3A_102 {strides = array<i32>} : memref<4x1x1x1024xi32, #tpu.memory_space<vmem>>, vector<1x1x1x1024xi32>,
    %get3A_103 = arith.constant 3 : index
    %get3A_104 = arith.constant 0 : index
    %get3A_105 = arith.constant 0 : index
    %get3A_106 = vector.load %arg1[%get3A_103, %get3A_104, %get3A_105] : memref<4x64x1024xf32, #tpu.memory_space<vmem>>, vector<1x64x1024xf32>
    %get3A_107 = vector.shape_cast %get3A_106 : vector<1x64x1024xf32> to vector<64x1024xf32>
    %dot_general3A_108 = arith.constant dense<0.000000e+00> : vector<1024x1024xf32>
    %dot_general3A_109 = tpu.matmul %get3A_1, %get3A_107, %dot_general3A_108 {dimension_numbers = #tpu.dot_dimension_numbers<[1], [0], [0], [1], [0, 0, 1, 1], [], []>, transpose_lhs_hint = false} : vector<1024x64xf32>, vector<64x1024xf32>, vector<1024x1024xf32> -> vector<1024x1024xf32>
    %mul3A_110 = arith.mulf %get3A_107, %get3A_107 : vector<64x1024xf32>
    %reduce_sum3A_111 = arith.constant dense<0.000000e+00> : vector<1024xf32>
    %reduce_sum3A_112 = vector.multi_reduction <add>, %mul3A_110, %reduce_sum3A_111 [0] : vector<64x1024xf32> to vector<1024xf32>
    %broadcast_in_dim3A_113 = vector.shape_cast %reduce_sum3A_112 : vector<1024xf32> to vector<1x1024xf32>
    %mul3A_114 = arith.constant 2.000000e+00 : f32
    %mul3A_115 = vector.broadcast %mul3A_114 : f32 to vector<1024x1024xf32>
    %mul3A_116 = arith.mulf %mul3A_115, %dot_general3A_109 : vector<1024x1024xf32>
    %sub3A_117 = vector.broadcast %broadcast_in_dim3A_113 : vector<1x1024xf32> to vector<1024x1024xf32>
    %sub3A_118 = arith.subf %sub3A_117, %mul3A_116 : vector<1024x1024xf32>
    %add3A_119 = vector.broadcast %broadcast_in_dim3A : vector<1024x1xf32> to vector<1024x1024xf32>
    %add3A_120 = arith.addf %sub3A_118, %add3A_119 : vector<1024x1024xf32>
    %reduce_min3A_121 = arith.constant dense<0x7F800000> : vector<1024xf32>
    %reduce_min3A_122 = vector.multi_reduction <minimumf>, %add3A_120, %reduce_min3A_121 [0] : vector<1024x1024xf32> to vector<1024xf32>
    %broadcast_in_dim3A_123 = vector.shape_cast %reduce_min3A_122 : vector<1024xf32> to vector<1x1024xf32>
    %eq3A_124 = vector.broadcast %broadcast_in_dim3A_123 : vector<1x1024xf32> to vector<1024x1024xf32>
    %eq3A_125 = arith.cmpf oeq, %add3A_120, %eq3A_124 : vector<1024x1024xf32>
    %jit3A_126 = arith.constant 1024 : i32
    %broadcast_in_dim3A_127 = vector.broadcast %jit3A_126 : i32 to vector<1024x1024xi32>
    %select_n3A_128 = arith.select %eq3A_125, %iota3A, %broadcast_in_dim3A_127 : vector<1024x1024xi1>, vector<1024x1024xi32>
    %reduce_min3A_129 = arith.constant dense<2147483647> : vector<1024xi32>
    %reduce_min3A_130 = vector.multi_reduction <minsi>, %select_n3A_128, %reduce_min3A_129 [0] : vector<1024x1024xi32> to vector<1024xi32>
    %broadcast_in_dim3A_131 = vector.shape_cast %reduce_min3A_130 : vector<1024xi32> to vector<1x1024xi32>
    %swap3A_132 = arith.constant 3 : index
    %swap3A_133 = arith.constant 0 : index
    %swap3A_134 = arith.constant 0 : index
    %swap3A_135 = arith.constant 0 : index
    %swap3A_136 = vector.load %arg3[%swap3A_132, %swap3A_133, %swap3A_134, %swap3A_135] : memref<4x1x1x1024xi32, #tpu.memory_space<vmem>>, vector<1x1x1x1024xi32>
    %swap3A_137 = vector.shape_cast %swap3A_136 : vector<1x1x1x1024xi32> to vector<1x1024xi32>
    %swap3A_138 = vector.shape_cast %broadcast_in_dim3A_131 : vector<1x1024xi32> to vector<1x1x1x1024xi32>
    tpu.vector_store %arg3[%swap3A_132, %swap3A_133, %swap3A_134, %swap3A_135], %swap3A_138 {strides = array<i32>} : memref<4x1x1x1024xi32, #tpu.memory_space<vmem>>, vector<1x1x1x1024xi32>,
    return
  }
  func.func @transform_0(%arg0: i32) -> (i32, i32, i32) {
    %c0_i32 = arith.constant 0 : i32
    %c0_i32_0 = arith.constant 0 : i32
    %c0_i32_1 = arith.constant 0 : i32
    return %arg0, %c0_i32, %c0_i32_0 : i32, i32, i32
  }
  func.func @transform_1(%arg0: i32) -> (i32, i32) {
    %c0_i32 = arith.constant 0 : i32
    %c0_i32_0 = arith.constant 0 : i32
    %c0_i32_1 = arith.constant 0 : i32
    return %c0_i32, %c0_i32_0 : i32, i32
  }
  func.func @transform_2(%arg0: i32) -> (i32, i32, i32, i32) {
    %c0_i32 = arith.constant 0 : i32
    %c0_i32_0 = arith.constant 0 : i32
    %c0_i32_1 = arith.constant 0 : i32
    %c0_i32_2 = arith.constant 0 : i32
    return %arg0, %c0_i32, %c0_i32_0, %c0_i32_1 : i32, i32, i32, i32
  }
}

module attributes {stable_mosaic.version = 14 : i64} {
  func.func @_xpose_body(%arg0: i32, %arg1: memref<4x1024x128xf32, #tpu.memory_space<vmem>>, %arg2: memref<4x64x1024xf32, #tpu.memory_space<vmem>>) attributes {dimension_semantics = [#tpu.dimension_semantics<parallel>], iteration_bounds = array<i64: 4>, scalar_prefetch = 0 : i64, scratch_operands = 0 : i64, tpu.core_type = #tpu.core_type<tc>, window_params = [{transform_indices = @transform_0, window_bounds = array<i64: 4, 1024, 128>}, {transform_indices = @transform_1, window_bounds = array<i64: 4, 64, 1024>}]} {
    %get3A = arith.constant 0 : index
    %get3A_0 = arith.constant 0 : index
    %get3A_1 = arith.constant 0 : index
    %get3A_2 = vector.load %arg1[%get3A, %get3A_0, %get3A_1] : memref<4x1024x128xf32, #tpu.memory_space<vmem>>, vector<1x1024x128xf32>
    %get3A_3 = vector.shape_cast %get3A_2 : vector<1x1024x128xf32> to vector<1024x128xf32>
    %slice3A = vector.extract_strided_slice %get3A_3 {offsets = [0, 0], sizes = [1024, 64], strides = [1, 1]} : vector<1024x128xf32> to vector<1024x64xf32>
    %transpose3A = tpu.transpose %slice3A, [1, 0] : vector<1024x64xf32> -> vector<64x1024xf32>
    %swap3A = arith.constant 0 : index
    %swap3A_4 = arith.constant 0 : index
    %swap3A_5 = arith.constant 0 : index
    %swap3A_6 = vector.load %arg2[%swap3A, %swap3A_4, %swap3A_5] : memref<4x64x1024xf32, #tpu.memory_space<vmem>>, vector<1x64x1024xf32>
    %swap3A_7 = vector.shape_cast %swap3A_6 : vector<1x64x1024xf32> to vector<64x1024xf32>
    %swap3A_8 = vector.shape_cast %transpose3A : vector<64x1024xf32> to vector<1x64x1024xf32>
    tpu.vector_store %arg2[%swap3A, %swap3A_4, %swap3A_5], %swap3A_8 {strides = array<i32>} : memref<4x64x1024xf32, #tpu.memory_space<vmem>>, vector<1x64x1024xf32>,
    %get3A_9 = arith.constant 1 : index
    %get3A_10 = arith.constant 0 : index
    %get3A_11 = arith.constant 0 : index
    %get3A_12 = vector.load %arg1[%get3A_9, %get3A_10, %get3A_11] : memref<4x1024x128xf32, #tpu.memory_space<vmem>>, vector<1x1024x128xf32>
    %get3A_13 = vector.shape_cast %get3A_12 : vector<1x1024x128xf32> to vector<1024x128xf32>
    %slice3A_14 = vector.extract_strided_slice %get3A_13 {offsets = [0, 0], sizes = [1024, 64], strides = [1, 1]} : vector<1024x128xf32> to vector<1024x64xf32>
    %transpose3A_15 = tpu.transpose %slice3A_14, [1, 0] : vector<1024x64xf32> -> vector<64x1024xf32>
    %swap3A_16 = arith.constant 1 : index
    %swap3A_17 = arith.constant 0 : index
    %swap3A_18 = arith.constant 0 : index
    %swap3A_19 = vector.load %arg2[%swap3A_16, %swap3A_17, %swap3A_18] : memref<4x64x1024xf32, #tpu.memory_space<vmem>>, vector<1x64x1024xf32>
    %swap3A_20 = vector.shape_cast %swap3A_19 : vector<1x64x1024xf32> to vector<64x1024xf32>
    %swap3A_21 = vector.shape_cast %transpose3A_15 : vector<64x1024xf32> to vector<1x64x1024xf32>
    tpu.vector_store %arg2[%swap3A_16, %swap3A_17, %swap3A_18], %swap3A_21 {strides = array<i32>} : memref<4x64x1024xf32, #tpu.memory_space<vmem>>, vector<1x64x1024xf32>,
    %get3A_22 = arith.constant 2 : index
    %get3A_23 = arith.constant 0 : index
    %get3A_24 = arith.constant 0 : index
    %get3A_25 = vector.load %arg1[%get3A_22, %get3A_23, %get3A_24] : memref<4x1024x128xf32, #tpu.memory_space<vmem>>, vector<1x1024x128xf32>
    %get3A_26 = vector.shape_cast %get3A_25 : vector<1x1024x128xf32> to vector<1024x128xf32>
    %slice3A_27 = vector.extract_strided_slice %get3A_26 {offsets = [0, 0], sizes = [1024, 64], strides = [1, 1]} : vector<1024x128xf32> to vector<1024x64xf32>
    %transpose3A_28 = tpu.transpose %slice3A_27, [1, 0] : vector<1024x64xf32> -> vector<64x1024xf32>
    %swap3A_29 = arith.constant 2 : index
    %swap3A_30 = arith.constant 0 : index
    %swap3A_31 = arith.constant 0 : index
    %swap3A_32 = vector.load %arg2[%swap3A_29, %swap3A_30, %swap3A_31] : memref<4x64x1024xf32, #tpu.memory_space<vmem>>, vector<1x64x1024xf32>
    %swap3A_33 = vector.shape_cast %swap3A_32 : vector<1x64x1024xf32> to vector<64x1024xf32>
    %swap3A_34 = vector.shape_cast %transpose3A_28 : vector<64x1024xf32> to vector<1x64x1024xf32>
    tpu.vector_store %arg2[%swap3A_29, %swap3A_30, %swap3A_31], %swap3A_34 {strides = array<i32>} : memref<4x64x1024xf32, #tpu.memory_space<vmem>>, vector<1x64x1024xf32>,
    %get3A_35 = arith.constant 3 : index
    %get3A_36 = arith.constant 0 : index
    %get3A_37 = arith.constant 0 : index
    %get3A_38 = vector.load %arg1[%get3A_35, %get3A_36, %get3A_37] : memref<4x1024x128xf32, #tpu.memory_space<vmem>>, vector<1x1024x128xf32>
    %get3A_39 = vector.shape_cast %get3A_38 : vector<1x1024x128xf32> to vector<1024x128xf32>
    %slice3A_40 = vector.extract_strided_slice %get3A_39 {offsets = [0, 0], sizes = [1024, 64], strides = [1, 1]} : vector<1024x128xf32> to vector<1024x64xf32>
    %transpose3A_41 = tpu.transpose %slice3A_40, [1, 0] : vector<1024x64xf32> -> vector<64x1024xf32>
    %swap3A_42 = arith.constant 3 : index
    %swap3A_43 = arith.constant 0 : index
    %swap3A_44 = arith.constant 0 : index
    %swap3A_45 = vector.load %arg2[%swap3A_42, %swap3A_43, %swap3A_44] : memref<4x64x1024xf32, #tpu.memory_space<vmem>>, vector<1x64x1024xf32>
    %swap3A_46 = vector.shape_cast %swap3A_45 : vector<1x64x1024xf32> to vector<64x1024xf32>
    %swap3A_47 = vector.shape_cast %transpose3A_41 : vector<64x1024xf32> to vector<1x64x1024xf32>
    tpu.vector_store %arg2[%swap3A_42, %swap3A_43, %swap3A_44], %swap3A_47 {strides = array<i32>} : memref<4x64x1024xf32, #tpu.memory_space<vmem>>, vector<1x64x1024xf32>,
    return
  }
  func.func @transform_0(%arg0: i32) -> (i32, i32, i32) {
    %c0_i32 = arith.constant 0 : i32
    %c0_i32_0 = arith.constant 0 : i32
    %c0_i32_1 = arith.constant 0 : i32
    return %arg0, %c0_i32, %c0_i32_0 : i32, i32, i32
  }
  func.func @transform_1(%arg0: i32) -> (i32, i32, i32) {
    %c0_i32 = arith.constant 0 : i32
    %c0_i32_0 = arith.constant 0 : i32
    %c0_i32_1 = arith.constant 0 : i32
    return %arg0, %c0_i32, %c0_i32_0 : i32, i32, i32
  }
}

</mosaic_0001>

<sc_bundles>
// kernel: kernel.5.cloned.1.call-start
scs
__scs_entry_jumppad:
0x0: {  	(pc) =	sbr.rel $0x88, $3  }
0x1: {  	(tag) =	ssettag $0x0;
	lr =	simm.s32 $0x1  }
0x2: {  	[smem:$0x3F9F] =	sst lr;
	_ =	strace $0xD0000000  }
0x3: {  	_ = 	snop  }
0x4: {  	_ = 	snop  }
0x5: {  	_ = 	snop  }
0x6: {  	_ = 	snop  }
0x7: {  	_ = 	snop  }
__scs_overlays_trampoline_lowered:
0x8: {  	[smem:$0x3FAE] =	sst s0  }
0x9: {  	[smem:$0x3FAF] =	sst s1  }
0xa: {  	[smem:$0x3FB0] =	sst s2  }
0xb: {  	[smem:$0x3FB1] =	sst s3  }
0xc: {  	[smem:$0x3FB2] =	sst s4  }
0xd: {  	[smem:$0x3FB3] =	sst s5  }
0xe: {  	[smem:$0x3FB4] =	sst s6  }
0xf: {  	[smem:$0x3FB5] =	sst s7  }
0x10: {  	[smem:$0x3FB6] =	sst s8  }
0x11: {  	[smem:$0x3FB7] =	sst s9;
	s0 =	simm.s32 @!p0 $0x0  }
0x12: {  	s1 =	sld [smem:$0x3F9D];
	s0 =	simm.s32 @p0 $0x1  }
0x13: {  	[smem:$0x3FB8] =	sst s0;
	s0 =	simm.s32 @!p1 $0x0  }
0x14: {  	s2 =	sld [smem:$0x3F9C];
	s0 =	simm.s32 @p1 $0x1  }
0x15: {  	[smem:$0x3FB9] =	sst s0;
	s0 =	simm.s32 @!p2 $0x0  }
0x16: {  	s3 =	sld [smem:$0x3FDB];
	s0 =	simm.s32 @p2 $0x1  }
0x17: {  	s4 =	simm.s32 $0x1BF5;
	[smem:$0x3FBB] =	sst s0  }
0x18: {  	s0 =	sld [smem:$0x3F9E];
	_ =	swait.ge [sflag:s4], $0x0  }
0x19: {  	s7 =	sld [smem:$0x3F9F]  }
0x1a: {  	s8 =	sadd.s32 $0xFFFFE003, lr  }
0x1b: {  	s9 =	sadd.s32 $0xFFFFFEF7, lr;
	s5 =	simm.s32 $0xFFFFFFFF;
	p2 =	slt.u32 s8, $0xFFFFF086  }
0x1c: {  	p1 =	slt.u32 s9, $0xF7A;
	s5 =	simm.s32 @!p2 $0x0  }
0x1d: {  	s5 =	simm.s32 @p1 $0x1;
	p0 =	seq.s32 s7, s2  }
0x1e: {  	s7 =	smul.u32 @!p0 $0xF7A, s2;
	p2 =	seq.s32 @!p0 s5, $0x0  }
0x1f: {  	s9 =	smul.u32 $0xF7A, s1;
	s8 =	simm.s32 @!p0 $0x1BF5;
	p2 =	por !p2, p0  }
0x20: {  	[sflag:s8] =	ssyncset.s32 @!p0 $0xFFFFF086;
	s6 =	sadd.s32 @!p0 s3, s7;
	s7 =	simm.s32 @!p0 $0x108  }
0x21: {  	s3 =	sadd.s32 s3, s9;
	s6 =	sadd.s32 @!p0 $0x88, s6;
	s7 =	simm.s32 @p2 $0x1082  }
0x22: {  	[simem:s7], [sflag:s8] =	dma.local @!p0 [hbm:s6], $0xF7A  }
0x23: {  	s9 =	sor.u32 $0xD0000000, s2;
	s6 =	simm.s32 $0x108;
	_ =	swait.ge @!p0 [sflag:s8], $0x0  }
0x24: {  	s3 =	sadd.s32 $0x88, s3;
	s6 =	simm.s32 @!p1 $0x1082;
	[sflag:s4] =	ssyncset.s32 $0xFFFFF086  }
0x25: {  	[simem:s6], [sflag:s4] =	dma.local [hbm:s3], $0xF7A  }
0x26: {  	[smem:$0x3F9F] =	sst s1;
	(tag) =	ssettag s2;
	_ =	strace s9  }
0x27: {  	s1 =	sld [smem:$0x3FAF]  }
0x28: {  	s2 =	sld [smem:$0x3FB0]  }
0x29: {  	s4 =	sld [smem:$0x3FB2]  }
0x2a: {  	p0 =	seq.s32 s5, $0x0;
	s5 =	sld [smem:$0x3FB3]  }
0x2b: {  	s6 =	sld [smem:$0x3FB4]  }
0x2c: {  	s7 =	sld [smem:$0x3FB5]  }
0x2d: {  	s3 =	simm.s32 $0x108;
	s8 =	sld [smem:$0x3FB6]  }
0x2e: {  	s3 =	simm.s32 @!p0 $0x1082;
	s9 =	sld [smem:$0x3FB7]  }
0x2f: {  	lr =	sadd.s32 s0, s3;
	s0 =	sld [smem:$0x3FAE]  }
0x30: {  	s3 =	sld [smem:$0x3FB1]  }
0x31: {  	[smem:$0x3FBA] =	sst s10  }
0x32: {  	s10 =	sld [smem:$0x3FB8];
	_ =	sdelay $0x3  }
0x33: {  	p0 =	seq.s32 s10, $0x1;
	s10 =	sld [smem:$0x3FBA];
	_ =	sdelay $0x3  }
0x34: {  	[smem:$0x3FBA] =	sst s10  }
0x35: {  	s10 =	sld [smem:$0x3FB9];
	_ =	sdelay $0x3  }
0x36: {  	p1 =	seq.s32 s10, $0x1;
	s10 =	sld [smem:$0x3FBA];
	_ =	sdelay $0x3  }
0x37: {  	[smem:$0x3FBA] =	sst s10  }
0x38: {  	s10 =	sld [smem:$0x3FBB]  }
0x39: {  	_ = 	snop;
	(pc) =	sbr.ind lr, $3  }
0x3a: {  	_ = 	snop  }
0x3b: {  	_ = 	snop  }
0x3c: {  	p2 =	seq.s32 s10, $0x1;
	s10 =	sld [smem:$0x3FBA]  }
0x3d: {  	_ =	shalt  }
0x3e: {  	_ =	shalt  }
0x3f: {  	_ =	shalt  }
0x40: {  	_ =	shalt  }
0x41: {  	_ =	shalt  }
0x42: {  	_ =	shalt  }
0x43: {  	_ =	shalt  }
0x44: {  	_ =	shalt  }
0x45: {  	_ =	shalt  }
0x46: {  	_ =	shalt  }
0x47: {  	_ =	shalt  }
0x48: {  	_ =	shalt  }
0x49: {  	_ =	shalt  }
0x4a: {  	_ =	shalt  }
0x4b: {  	_ =	shalt  }
0x4c: {  	_ =	shalt  }
0x4d: {  	_ =	shalt  }
0x4e: {  	_ =	shalt  }
0x4f: {  	_ =	shalt  }
0x50: {  	_ =	shalt  }
0x51: {  	_ =	shalt  }
0x52: {  	_ =	shalt  }
0x53: {  	_ =	shalt  }
0x54: {  	_ =	shalt  }
0x55: {  	_ =	shalt  }
0x56: {  	_ =	shalt  }
0x57: {  	_ =	shalt  }
0x58: {  	_ =	shalt  }
0x59: {  	_ =	shalt  }
0x5a: {  	_ =	shalt  }
0x5b: {  	_ =	shalt  }
0x5c: {  	_ =	shalt  }
0x5d: {  	_ =	shalt  }
0x5e: {  	_ =	shalt  }
0x5f: {  	_ =	shalt  }
0x60: {  	_ =	shalt  }
0x61: {  	_ =	shalt  }
0x62: {  	_ =	shalt  }
0x63: {  	_ =	shalt  }
0x64: {  	_ =	shalt  }
0x65: {  	_ =	shalt  }
0x66: {  	_ =	shalt  }
0x67: {  	_ =	shalt  }
0x68: {  	_ =	shalt  }
0x69: {  	_ =	shalt  }
0x6a: {  	_ =	shalt  }
0x6b: {  	_ =	shalt  }
0x6c: {  	_ =	shalt  }
0x6d: {  	_ =	shalt  }
0x6e: {  	_ =	shalt  }
0x6f: {  	_ =	shalt  }
0x70: {  	_ =	shalt  }
0x71: {  	_ =	shalt  }
0x72: {  	_ =	shalt  }
0x73: {  	_ =	shalt  }
0x74: {  	_ =	shalt  }
0x75: {  	_ =	shalt  }
0x76: {  	_ =	shalt  }
0x77: {  	_ =	shalt  }
0x78: {  	_ =	shalt  }
0x79: {  	_ =	shalt  }
0x7a: {  	_ =	shalt  }
0x7b: {  	_ =	shalt  }
0x7c: {  	_ =	shalt  }
0x7d: {  	_ =	shalt  }
0x7e: {  	_ =	shalt  }
0x7f: {  	_ =	shalt  }
0x80: {  	_ =	shalt  }
0x81: {  	_ =	shalt  }
0x82: {  	_ =	shalt  }
0x83: {  	_ =	shalt  }
0x84: {  	_ =	shalt  }
0x85: {  	_ =	shalt  }
0x86: {  	_ =	shalt  }
0x87: {  	_ =	shalt  }
.Lfunc_end0:
.L_simem_size_0:
called_computation_lowered:
.L_overlay_start_0:
0x88: {  	s2 =	sld [smem:$0x3FD9]  }
0x89: {  	s3 =	sld [smem:$0x3FFE];
	_ =	sdelay $0x1  }
0x8a: {  	s1 =	srdreg.scid  }
0x8b: {  	s0 =	sand.u32 $0x1, s1  }
0x8c: {  	s14 =	sshll.u32 s0, $0xA;
	s2 =	sadd.s32 s3, s2  }
0x8d: {  	s2 =	sadd.s32 s2, s14  }
0x8e: {  	[smem:$0x3FC6] =	sst s2  }
0x8f: {  	_ = 	snop  }
0x90: {  	s2 =	sld [smem:$0x3FD0];
	_ =	sdelay $0x2  }
0x91: {  	s15 =	simm.s32 $0xA;
	s4 =	simm.s32 $0x10  }
0x92: {  	[smem:s4], [sflag:s15] =	dma.local [hbm:s2], $0x1  }
0x93: {  	_ =	swait.eq [sflag:s15], $0x1  }
0x94: {  	[sflag:s15] =	ssyncset.done $0x0  }
0x95: {  	s16 =	sld [smem:$0x10];
	[sflag:s15] =	ssyncadd.s32 $0xFFFFFFFF  }
0x96: {  	s17 =	sld [smem:$0x11];
	(tm) =	ssettm $0x1  }
0x97: {  	s18 =	sld [smem:$0x3FFB];
	_ =	sdelay $0x3  }
0x98: {  	_ =	strace s18  }
0x99: {  	s4 =	sld [smem:$0x3FFC];
	_ =	sdelay $0x3  }
0x9a: {  	_ =	strace s4  }
0x9b: {  	s4 =	sld [smem:$0x3FFD];
	_ =	sdelay $0x3  }
0x9c: {  	_ =	strace s4  }
0x9d: {  	_ =	strace $0x8FFFFFFF  }
0x9e: {  	s19 =	sld [smem:$0x3FDB];
	_ =	sdelay $0x1  }
0x9f: {  	s5 =	simm.s32 $_scs_section_size  }
0xa0: {  	s6 =	simm.s32 $_size__tile_overlayer_lowered;
	s7 =	simm.s32 $_tile_overlayer_lowered  }
0xa1: {  	s22 =	simm.s32 $0x1BFF;
	s21 =	sshll.u32 s7, $0x1;
	s4 =	sadd.s32 s5, s19  }
0xa2: {  	s8 =	simm.s32 $0x0;
	s20 =	sshll.u32 s6, $0x1;
	s6 =	sadd.s32 s21, s4  }
0xa3: {  	[timem:s8], [sflag:s22] =	dma.local [hbm:s6], s20  }
0xa4: {  	_ =	swait.ge [sflag:s22], s20  }
0xa5: {  	s5 =	ssub.s32 $0x0, s20;
	[sflag:s22] =	ssyncset.done $0x0  }
0xa6: {  	[sflag:s22] =	ssyncadd.s32 s5;
	_ =	sdelay $0x1  }
0xa7: {  	s23 =	simm.s32 $0x1B8B  }
0xa8: {  	_ =	swait.ge [sflag:s23], $0x1  }
0xa9: {  	[sflag:s23] =	ssyncset.done $0x0  }
0xaa: {  	s25 =	simm.s32 $0x1B8E;
	s24 =	sld [smem:$0x3FFE];
	[sflag:s23] =	ssyncadd.s32 $0xFFFFFFFF  }
0xab: {  	s26 =	simm.s32 $execute0_lowered;
	[smem:$0x3FD2] =	sst s25  }
0xac: {  	s6 =	sshll.u32 s26, $0x1;
	_ =	strace $0x80000046;
	[dreg:$0x1] =	wrdreg $0xFFFFFFFF  }
0xad: {  	s28 =	simm.s32 $_size_execute0_lowered;
	s4 =	sadd.s32 s4, s6;
	[dreg:$0x0] =	wrdreg $0x0  }
0xae: {  	s6 =	sshll.u32 s28, $0x1;
	[dreg:$0x2] =	wrdreg s4  }
0xaf: {  	[dreg:$0x3] =	wrdreg s6  }
0xb0: {  	[dreg:$0x4] =	wrdreg $0xC0  }
0xb1: {  	_ =	task [dreg:s8], $0x5FFFF  }
0xb2: {  	[dreg:$0x1] =	wrdreg $0xFFFFFFFF  }
0xb3: {  	[dreg:$0x0] =	wrdreg $0x60  }
0xb4: {  	[dreg:$0x2] =	wrdreg s16  }
0xb5: {  	[dreg:$0x3] =	wrdreg s24  }
0xb6: {  	[dreg:$0x4] =	wrdreg s17  }
0xb7: {  	[dreg:$0x5] =	wrdreg $0x9  }
0xb8: {  	_ =	task.clear_ibuf [dreg:s8], $0x6FFFF;
	_ =	strace $0x90000046  }
0xb9: {  	s29 =	simm.s32 $0x9;
	_ =	strace $0x80000048  }
0xba: {  	_ =	swait.ge [sflag:s29], $0x1  }
0xbb: {  	[sflag:s29] =	ssyncadd.s32 $0xFFFFFFFF  }
0xbc: {  	_ =	strace $0x90000048  }
0xbd: {  	_ =	sfence  }
0xbe: {  	s30 =	sld [smem:$0x0];
	_ =	sdelay $0x2  }
0xbf: {  	s31 =	sshll.u32 s1, $0xD;
	s1 =	sshrl.u32 s1, $0x2  }
0xc0: {  	s3 =	sand.u32 $0x4000, s31;
	s1 =	sadd.s32 s1, s30  }
0xc1: {  	s0 =	sor.u32 s3, s0;
	s1 =	sshll.u32 s1, $0x11  }
0xc2: {  	s0 =	sor.u32 s1, s0  }
0xc3: {  	s0 =	sadd.s32 $0x8F2B, s0  }
0xc4: {  	[sflag:s0] =	ssyncadd.remote.s32 $0x1  }
0xc5: {  	_ =	sfence.sel $0xFFFF  }
0xc6: {  	[dreg:$0x0] =	wrdreg $0xFFFFFFFF;
	(pc) =	sbr.abs _section_cstart, $3  }
0xc7: {  	[dreg:$0x1] =	wrdreg $0xFFFFFFFF  }
0xc8: {  	_ =	task.clear_ibuf [dreg:s8], $0x2FFFF;
	_ =	strace $0x9FFFFFFF  }
0xc9: {  	(tm) =	ssettm $0x7FFFFFFF  }
tec
execute0_lowered:
.L_overlay_start_1:
0x0: {  	(tag) =	ssettag $0x1  }
0x1: {  	s2 =	srdreg.scid  }
0x2: {  	s1 =	rddreg [dreg:$0x0];
	s0 =	stileid.u32;
	s6 =	sand.u32 $0x1, s2  }
0x3: {  	s4 =	rddreg [dreg:$0x1];
	s30 =	sshll.u32 s0, $0xA;
	s3 =	sshll.u32 s6, $0x9  }
0x4: {  	s8 =	rddreg [dreg:$0x2];
	s9 =	sor.u32 s3, s30  }
0x5: {  	s2 =	rddreg [dreg:$0x3];
	s3 =	simm.s32 $0x0;
	s5 =	sshrl.u32 s9, $0x3  }
0x6: {  	s10 =	ssub.s32 $0x2, s6;
	[smem:$0x7FF] =	sst s3;
	s4 =	sadd.s32 s5, s4  }
0x7: {  	_ =	strace $0x80000047;
	s5 =	sadd.s32 $0x800, s4;
	s4 =	simm.s32 $0x2  }
0x8: {  	[tilespmem:s3], [sflag:$0x2] =	stream.linear.gather [hbm4b:s5+s3], $0x200, $0x38;
	[tilespmem:$0x10200] =	vst v63  }
0x9: {  	s11 =	sshrl.u32 s10, $0x1;
	_ =	swait.ge [sflag:s4], $0x200  }
0xa: {  	s7 =	simm.s32 $0x1;
	s10 =	ssub.s32 s10, s11;
	[sflag:s4] =	ssyncset.done $0x0  }
0xb: {  	s6 =	simm.s32 $0x200;
	s31 =	smax.u32 s10, $0x1;
	[sflag:s4] =	ssyncadd.s32 $0xFFFFFE00  }
0xc: {  	[tilespmem:s6], [sflag:$0x1] =	stream.indirect.gather [hbm4b:s1+s6], $0x80, s3, s6, $0xb8;
	[tilespmem:$0x10200] =	vst v63  }
0xd: {  	p0 =	sne.s32 s31, $0x1;
	_ =	swait.ge [sflag:s7], $0x10000  }
.Ltmp0:
0xe: {  	s9 =	sshll.u32 s9, $0x4;
	[sflag:s7] =	ssyncset.done $0x0;
	(pc) =	sbr.rel @!p0 .LBB2_2-.Ltmp0, $4  }
0xf: {  	s8 =	sadd.s32 s8, s9;
	[sflag:s7] =	ssyncadd.s32 $0xFFFF0000  }
0x10: {  	[hbm4b:s8+s3] =	stream.linear.scatter [tilespmem:s6], [sflag:$0x2], $0x10000, $0x38;
	[tilespmem:$0x10200] =	vst v63  }
0x11: {  	_ =	swait.ge [sflag:s4], $0x10000  }
0x12: {  	s9 =	sadd.s32 $0xFFFFFFFF, s31;
	[sflag:s4] =	ssyncset.done $0x0  }
.LBB2_1:
0x13: {  	p0 =	sne.s32 s9, $0x1;
	s9 =	sadd.s32 $0xFFFFFFFF, s9;
	[sflag:s4] =	ssyncadd.s32 $0xFFFF0000  }
0x14: {  	[tilespmem:s3], [sflag:$0x2] =	stream.linear.gather [hbm4b:s5+s3], $0x200, $0x38;
	[tilespmem:$0x10200] =	vst v63  }
0x15: {  	_ =	swait.ge [sflag:s4], $0x200  }
0x16: {  	[sflag:s4] =	ssyncset.done $0x0  }
0x17: {  	[sflag:s4] =	ssyncadd.s32 $0xFFFFFE00  }
0x18: {  	[tilespmem:s6], [sflag:$0x1] =	stream.indirect.gather [hbm4b:s1+s6], $0x80, s3, s6, $0xb8;
	[tilespmem:$0x10200] =	vst v63  }
0x19: {  	_ =	swait.ge [sflag:s7], $0x10000  }
.Ltmp1:
0x1a: {  	[sflag:s7] =	ssyncset.done $0x0;
	(pc) =	sbr.rel @p0 .LBB2_1-.Ltmp1, $4  }
0x1b: {  	[sflag:s7] =	ssyncadd.s32 $0xFFFF0000  }
0x1c: {  	[hbm4b:s8+s3] =	stream.linear.scatter [tilespmem:s6], [sflag:$0x2], $0x10000, $0x38;
	[tilespmem:$0x10200] =	vst v63  }
0x1d: {  	_ =	swait.ge [sflag:s4], $0x10000  }
0x1e: {  	[sflag:s4] =	ssyncset.done $0x0  }
.LBB2_2:
0x1f: {  	[sflag:s4] =	ssyncadd.s32 $0xFFFF0000  }
0x20: {  	_ =	sfence.sel $0x180000  }
0x21: {  	[bflag:$0x0] =	sbarrier.arrive $0xFFFF  }
0x22: {  	p0 =	sne.s32 s0, $0x0;
	_ =	strace $0x90000047  }
0x23: {  	s0 =	sadd.s32 @!p0 $0x100000, s2;
	[bflag:$0x2] =	sbarrier.arrive $0xFFFF  }
0x24: {  	[sflag:s0] =	ssyncadd.tile.s32 @!p0 $0x1;
	_ =	shalt  }
.Lfunc_end2:
_tile_overlayer_lowered:
.L_overlay_start_2:
0x25: {  	(tag) =	ssettag $0x2  }
0x26: {  	s0 =	rddreg [dreg:$0x0];
	s2 =	stileid.u32  }
0x27: {  	s1 =	rddreg [dreg:$0x1];
	p0 =	sne.s32 s2, $0x0  }
0x28: {  	s3 =	rddreg [dreg:$0x2];
	[bflag:$0x3] =	sbarrier.arrive $0xFFFF;
	s2 =	simm.s32 @!p0 $0x1C02  }
0x29: {  	[timem:s3], [sflag:s2] =	dma.local @!p0 [hbm:s0], s1  }
0x2a: {  	s0 =	simm.s32 @!p0 $0x2  }
0x2b: {  	_ =	swait.ge @!p0 [sflag:s0], s1  }
0x2c: {  	s1 =	ssub.s32 @!p0 $0x0, s1;
	[sflag:s0] =	ssyncset.done @!p0 $0x0  }
0x2d: {  	[sflag:s0] =	ssyncadd.s32 @!p0 s1  }
0x2e: {  	[bflag:$0x3] =	sbarrier.arrive $0xFFFF  }
0x2f: {  	_ =	shalt  }

</sc_bundles>
